<compile_context>
chip_gen: v7x
topology: tpu7x:2x2x1
jax: 0.10.2.dev20260603
libtpu: 0.0.44.dev20260713+nightly
codegen_flags: <defaults>
</compile_context>

<pallas_src>
import functools

import jax
import jax.numpy as jnp
from jax import lax
from jax.experimental import pallas as pl
from jax.experimental.pallas import tpu as pltpu
from jax.experimental.pallas import tpu_sc as plsc

_L = 16
_ROWS = 16
_COLS = 4096
_HALF = _COLS // 2
_HALF_CHUNKS = _HALF // _L

_mesh = plsc.VectorSubcoreMesh(core_axis_name="c", subcore_axis_name="s")


def _popcount(mb):
    p = plsc.all_reduce_population_count(mb)
    return lax.squeeze(lax.slice_in_dim(p, 0, 1), (0,))


@functools.partial(
    pl.kernel,
    out_type=jax.ShapeDtypeStruct((8, 128), jnp.float32),
    mesh=_mesh,
    scratch_types=[
        pltpu.VMEM((_HALF,), jnp.float32),
        pltpu.VMEM((_COLS + _L,), jnp.float32),
        pltpu.VMEM((_COLS,), jnp.int32),
        pltpu.VMEM((2 * _L,), jnp.float32),
        pltpu.SemaphoreType.DMA,
        pltpu.SemaphoreType.DMA,
        pltpu.SemaphoreType.DMA,
    ],
    compiler_params=pltpu.CompilerParams(needs_layout_passes=False),
)
def _sc_partials(pred_hbm, tgt_hbm, mask_hbm, out_hbm,
                 pred_v, tgt_v, mask_v, out_v, sem_m, sem_p, sem_t):
    c = lax.axis_index("c")
    s = lax.axis_index("s")

    cp_m = pltpu.async_copy(mask_hbm.at[s], mask_v, sem_m)
    cp_p = pltpu.async_copy(pred_hbm.at[s, pl.ds(c * _HALF, _HALF)], pred_v, sem_p)
    cp_t = pltpu.async_copy(tgt_hbm.at[s], tgt_v.at[pl.ds(0, _COLS)], sem_t)
    cp_m.wait()

    def pre_body(i, acc):
        mb0 = mask_v[pl.ds((2 * i) * _L, _L)] != 0
        mb1 = mask_v[pl.ds((2 * i + 1) * _L, _L)] != 0
        return acc + _popcount(mb0) + _popcount(mb1)

    cnt_first = lax.fori_loop(0, _HALF_CHUNKS // 2, pre_body, jnp.int32(0))
    off0 = jnp.where(c == 1, cnt_first, jnp.int32(0))
    cp_p.wait()
    cp_t.wait()

    def chunk(idx, off, mis):
        mb = mask_v[pl.ds(idx * _L, _L)] != 0
        pv = pred_v[pl.ds((idx - c * _HALF_CHUNKS) * _L, _L)]
        g = plsc.load_expanded(tgt_v.at[pl.ds(off, _L)], mask=mb)
        x = lax.bitcast_convert_type(pv, jnp.int32) ^ lax.bitcast_convert_type(
            g, jnp.int32
        )
        mism = (x < 0) & mb
        return off + _popcount(mb), mis + _popcount(mism)

    def body(i, st):
        off, mis = st
        base = c * _HALF_CHUNKS + i * 4
        off, mis = chunk(base, off, mis)
        off, mis = chunk(base + 1, off, mis)
        off, mis = chunk(base + 2, off, mis)
        off, mis = chunk(base + 3, off, mis)
        return (off, mis)

    off_end, mis = lax.fori_loop(
        0, _HALF_CHUNKS // 4, body, (off0, jnp.int32(0))
    )
    cnt = off_end - off0

    lane0 = lax.iota(jnp.int32, _L) == 0
    out_v[pl.ds(0, _L)] = jnp.where(lane0, mis.astype(jnp.float32), 0.0)
    out_v[pl.ds(_L, _L)] = jnp.where(lane0, cnt.astype(jnp.float32), 0.0)
    wid = s * 2 + c
    row = lax.shift_right_logical(wid, 2)
    col = (wid & 3) * (2 * _L)
    pltpu.sync_copy(out_v, out_hbm.at[row, pl.ds(col, 2 * _L)])


def _reduce_body(p_ref, o_ref):
    x = p_ref[...]
    is_mis = (lax.broadcasted_iota(jnp.int32, (8, 128), 1) & _L) == 0
    mis = jnp.sum(jnp.where(is_mis, x, 0.0))
    cnt = jnp.sum(jnp.where(is_mis, 0.0, x))
    o_ref[...] = jnp.full((1, 1), 100.0 * mis / cnt, jnp.float32)


def kernel(prediction, target, mask):
    partials = _sc_partials(prediction, target, mask)
    out = pl.pallas_call(
        _reduce_body,
        out_shape=jax.ShapeDtypeStruct((1, 1), jnp.float32),
    )(partials)
    return out[0, 0]

# --- scband reference (transcript-rebuilt; emitter-appended) ---
"""Pipeline reference for scband-masked-direction-loss-48009144435090 (READ-ONLY COPY).

The authoritative reference and input builder live on the scoring server;
editing this copy changes nothing except your own understanding.
"""

import jax, jax.numpy as jnp
import numpy as np


def setup_inputs(seed: int = 0) -> dict:
    key = jax.random.key(seed)
    k1, k2, k3 = jax.random.split(key, 3)
    prediction = jax.random.normal(k1, (16, 4096), dtype=jnp.float32)
    target = jax.random.normal(k2, (16, 4096), dtype=jnp.float32)
    mask = jax.random.randint(k3, (16, 4096), 0, 2, dtype=jnp.int32)
    return {"prediction": prediction, "target": target, "mask": mask}


def _bce_mean(p, t):
    # torch.nn.BCELoss with default reduction='mean'; torch clamps log terms at -100
    log_p = jnp.clip(jnp.log(p), -100.0, None)
    log_1mp = jnp.clip(jnp.log(1.0 - p), -100.0, None)
    return jnp.mean(-(t * log_p + (1.0 - t) * log_1mp))


def reference(prediction, target, mask):
    ignored_index = 0
    mask_b = mask != ignored_index
    rank = jnp.cumsum(mask_b.astype(jnp.int32), axis=1) - 1
    target_paired = jnp.take_along_axis(target, jnp.clip(rank, 0, None), axis=1)
    prediction_labeled = jnp.signbit(prediction).astype(jnp.float32)
    target_labeled = jnp.signbit(target_paired).astype(jnp.float32)
    log_p = jnp.clip(jnp.log(prediction_labeled), -100.0, None)
    log_1mp = jnp.clip(jnp.log(1.0 - prediction_labeled), -100.0, None)
    per_elem = -(target_labeled * log_p + (1.0 - target_labeled) * log_1mp)
    mask_f = mask_b.astype(jnp.float32)
    loss = jnp.sum(per_elem * mask_f) / jnp.sum(mask_f)
    # reduction == 'sum' on a scalar
    out = jnp.sum(loss)
    return out

if __name__ == "__main__":
    import jax
    _d = setup_inputs()
    print(jax.jit(kernel)(*tuple(_d.values())))

</pallas_src>

<mosaic_0001>
#map = affine_map<(d0, d1) -> (0, 0)>
module attributes {stable_mosaic.version = 14 : i64} {
  func.func @_sc_partials(%arg0: i32, %arg1: i32, %arg2: memref<16x4096xf32, #tpu.memory_space<hbm>>, %arg3: memref<16x4096xf32, #tpu.memory_space<hbm>>, %arg4: memref<16x4096xi32, #tpu.memory_space<hbm>>, %arg5: memref<8x128xf32, #tpu.memory_space<hbm>>, %arg6: memref<2048xf32, #tpu.memory_space<vmem>>, %arg7: memref<4112xf32, #tpu.memory_space<vmem>>, %arg8: memref<4096xi32, #tpu.memory_space<vmem>>, %arg9: memref<32xf32, #tpu.memory_space<vmem>>, %arg10: memref<!tpu.dma_semaphore, #tpu.memory_space<semaphore_mem>>, %arg11: memref<!tpu.dma_semaphore, #tpu.memory_space<semaphore_mem>>, %arg12: memref<!tpu.dma_semaphore, #tpu.memory_space<semaphore_mem>>) attributes {dimension_semantics = [#tpu.dimension_semantics<core_parallel>, #tpu.dimension_semantics<subcore_parallel>], iteration_bounds = array<i64: 2, 16>, scalar_prefetch = 0 : i64, scratch_operands = 7 : i64, tpu.core_type = #tpu.core_type<sc_vector_subcore>, window_params = [{transform_indices = #map}, {transform_indices = #map}, {transform_indices = #map}, {transform_indices = #map}]} {
    %dma_start3A = arith.constant 0 : i32
    %dma_start3A_0 = tpu.memref_slice %arg4[%arg1, %dma_start3A] : memref<16x4096xi32, #tpu.memory_space<hbm>> -> memref<1x4096xi32, #tpu.memory_space<hbm>>
    %dma_start3A_1 = tpu.memref_squeeze %dma_start3A_0 : memref<1x4096xi32, #tpu.memory_space<hbm>> -> memref<4096xi32, #tpu.memory_space<hbm>>
    %dma_start3A_2 = arith.constant 0 : i32
    %dma_start3A_3 = tpu.memref_slice %arg4[%arg1, %dma_start3A_2] : memref<16x4096xi32, #tpu.memory_space<hbm>> -> memref<1x4096xi32, #tpu.memory_space<hbm>>
    %dma_start3A_4 = tpu.memref_squeeze %dma_start3A_3 : memref<1x4096xi32, #tpu.memory_space<hbm>> -> memref<4096xi32, #tpu.memory_space<hbm>>
    tpu.enqueue_dma source(%dma_start3A_4 : memref<4096xi32, #tpu.memory_space<hbm>>) target(%arg8 : memref<4096xi32, #tpu.memory_space<vmem>>) target_semaphore(%arg10 : memref<!tpu.dma_semaphore, #tpu.memory_space<semaphore_mem>>)
    %mul3A = arith.constant 2048 : i32
    %mul3A_5 = arith.muli %arg0, %mul3A : i32
    %dma_start3A_6 = tpu.memref_slice %arg2[%arg1, %mul3A_5] : memref<16x4096xf32, #tpu.memory_space<hbm>> -> memref<1x2048xf32, #tpu.memory_space<hbm>>
    %dma_start3A_7 = tpu.memref_squeeze %dma_start3A_6 : memref<1x2048xf32, #tpu.memory_space<hbm>> -> memref<2048xf32, #tpu.memory_space<hbm>>
    %dma_start3A_8 = tpu.memref_slice %arg2[%arg1, %mul3A_5] : memref<16x4096xf32, #tpu.memory_space<hbm>> -> memref<1x2048xf32, #tpu.memory_space<hbm>>
    %dma_start3A_9 = tpu.memref_squeeze %dma_start3A_8 : memref<1x2048xf32, #tpu.memory_space<hbm>> -> memref<2048xf32, #tpu.memory_space<hbm>>
    tpu.enqueue_dma source(%dma_start3A_9 : memref<2048xf32, #tpu.memory_space<hbm>>) target(%arg6 : memref<2048xf32, #tpu.memory_space<vmem>>) target_semaphore(%arg11 : memref<!tpu.dma_semaphore, #tpu.memory_space<semaphore_mem>>)
    %dma_start3A_10 = arith.constant 0 : i32
    %dma_start3A_11 = tpu.memref_slice %arg7[%dma_start3A_10] : memref<4112xf32, #tpu.memory_space<vmem>> -> memref<4096xf32, #tpu.memory_space<vmem>>
    %dma_start3A_12 = arith.constant 0 : i32
    %dma_start3A_13 = tpu.memref_slice %arg3[%arg1, %dma_start3A_12] : memref<16x4096xf32, #tpu.memory_space<hbm>> -> memref<1x4096xf32, #tpu.memory_space<hbm>>
    %dma_start3A_14 = tpu.memref_squeeze %dma_start3A_13 : memref<1x4096xf32, #tpu.memory_space<hbm>> -> memref<4096xf32, #tpu.memory_space<hbm>>
    %dma_start3A_15 = arith.constant 0 : i32
    %dma_start3A_16 = tpu.memref_slice %arg7[%dma_start3A_15] : memref<4112xf32, #tpu.memory_space<vmem>> -> memref<4096xf32, #tpu.memory_space<vmem>>
    %dma_start3A_17 = arith.constant 0 : i32
    %dma_start3A_18 = tpu.memref_slice %arg3[%arg1, %dma_start3A_17] : memref<16x4096xf32, #tpu.memory_space<hbm>> -> memref<1x4096xf32, #tpu.memory_space<hbm>>
    %dma_start3A_19 = tpu.memref_squeeze %dma_start3A_18 : memref<1x4096xf32, #tpu.memory_space<hbm>> -> memref<4096xf32, #tpu.memory_space<hbm>>
    tpu.enqueue_dma source(%dma_start3A_19 : memref<4096xf32, #tpu.memory_space<hbm>>) target(%dma_start3A_16 : memref<4096xf32, #tpu.memory_space<vmem>>) target_semaphore(%arg12 : memref<!tpu.dma_semaphore, #tpu.memory_space<semaphore_mem>>)
    %dma_wait3A = arith.constant 0 : i32
    %dma_wait3A_20 = tpu.memref_slice %arg4[%arg1, %dma_wait3A] : memref<16x4096xi32, #tpu.memory_space<hbm>> -> memref<1x4096xi32, #tpu.memory_space<hbm>>
    %dma_wait3A_21 = tpu.memref_squeeze %dma_wait3A_20 : memref<1x4096xi32, #tpu.memory_space<hbm>> -> memref<4096xi32, #tpu.memory_space<hbm>>
    %dma_wait3A_22 = arith.constant 0 : i32
    %dma_wait3A_23 = tpu.memref_slice %arg4[%arg1, %dma_wait3A_22] : memref<16x4096xi32, #tpu.memory_space<hbm>> -> memref<1x4096xi32, #tpu.memory_space<hbm>>
    %dma_wait3A_24 = tpu.memref_squeeze %dma_wait3A_23 : memref<1x4096xi32, #tpu.memory_space<hbm>> -> memref<4096xi32, #tpu.memory_space<hbm>>
    tpu.wait_dma2 semaphore(%arg10 : memref<!tpu.dma_semaphore, #tpu.memory_space<semaphore_mem>>) src(%dma_wait3A_24 : memref<4096xi32, #tpu.memory_space<hbm>>) dst(%arg8 : memref<4096xi32, #tpu.memory_space<vmem>>)
    %scan3A = arith.constant 0 : i32
    %scan3A_25 = arith.constant 0 : i32
    %scan3A_26 = arith.constant 64 : i32
    %scan3A_27 = arith.addi %scan3A_25, %scan3A_26 : i32
    %scan3A_28 = arith.constant 1 : i32
    %scan3A_29 = scf.for %scan3A_73 = %scan3A_25 to %scan3A_27 step %scan3A_28 iter_args(%scan3A_74 = %scan3A) -> (i32)  : i32 {
      %mul3A_75 = arith.constant 2 : i32
      %mul3A_76 = arith.muli %mul3A_75, %scan3A_73 : i32
      %mul3A_77 = arith.constant 16 : i32
      %mul3A_78 = arith.muli %mul3A_76, %mul3A_77 : i32
      %get3A = arith.index_cast %mul3A_78 : i32 to index
      %get3A_79 = tpu.vector_load %arg8[%get3A] {strides = array<i32>} : memref<4096xi32, #tpu.memory_space<vmem>>, vector<16xi32>,
      %ne3A = arith.constant 0 : i32
      %ne3A_80 = vector.broadcast %ne3A : i32 to vector<16xi32>
      %ne3A_81 = arith.cmpi ne, %get3A_79, %ne3A_80 : vector<16xi32>
      %mul3A_82 = arith.constant 2 : i32
      %mul3A_83 = arith.muli %mul3A_82, %scan3A_73 : i32
      %add3A_84 = arith.constant 1 : i32
      %add3A_85 = arith.addi %mul3A_83, %add3A_84 : i32
      %mul3A_86 = arith.constant 16 : i32
      %mul3A_87 = arith.muli %add3A_85, %mul3A_86 : i32
      %get3A_88 = arith.index_cast %mul3A_87 : i32 to index
      %get3A_89 = tpu.vector_load %arg8[%get3A_88] {strides = array<i32>} : memref<4096xi32, #tpu.memory_space<vmem>>, vector<16xi32>,
      %ne3A_90 = arith.constant 0 : i32
      %ne3A_91 = vector.broadcast %ne3A_90 : i32 to vector<16xi32>
      %ne3A_92 = arith.cmpi ne, %get3A_89, %ne3A_91 : vector<16xi32>
      %all_reduce_population_count3A = tpu.all_reduce %ne3A_81 {dim = 0 : i64, kind = #tpu.reduction_kind<sum>} : vector<16xi1> -> vector<16xi32>
      %slice3A = vector.extract_strided_slice %all_reduce_population_count3A {offsets = [0], sizes = [1], strides = [1]} : vector<16xi32> to vector<1xi32>
      %squeeze3A = vector.extract %slice3A[0] : i32 from vector<1xi32>
      %add3A_93 = arith.addi %scan3A_74, %squeeze3A : i32
      %all_reduce_population_count3A_94 = tpu.all_reduce %ne3A_92 {dim = 0 : i64, kind = #tpu.reduction_kind<sum>} : vector<16xi1> -> vector<16xi32>
      %slice3A_95 = vector.extract_strided_slice %all_reduce_population_count3A_94 {offsets = [0], sizes = [1], strides = [1]} : vector<16xi32> to vector<1xi32>
      %squeeze3A_96 = vector.extract %slice3A_95[0] : i32 from vector<1xi32>
      %add3A_97 = arith.addi %add3A_93, %squeeze3A_96 : i32
      scf.yield %add3A_97 : i32
    }
    %scan3A_30 = arith.constant 64 : i32
    %eq3A = arith.constant 1 : i32
    %eq3A_31 = arith.cmpi eq, %arg0, %eq3A : i32
    %jit3A = arith.constant 0 : i32
    %select_n3A = arith.select %eq3A_31, %scan3A_29, %jit3A : i32
    %dma_wait3A_32 = tpu.memref_slice %arg2[%arg1, %mul3A_5] : memref<16x4096xf32, #tpu.memory_space<hbm>> -> memref<1x2048xf32, #tpu.memory_space<hbm>>
    %dma_wait3A_33 = tpu.memref_squeeze %dma_wait3A_32 : memref<1x2048xf32, #tpu.memory_space<hbm>> -> memref<2048xf32, #tpu.memory_space<hbm>>
    %dma_wait3A_34 = tpu.memref_slice %arg2[%arg1, %mul3A_5] : memref<16x4096xf32, #tpu.memory_space<hbm>> -> memref<1x2048xf32, #tpu.memory_space<hbm>>
    %dma_wait3A_35 = tpu.memref_squeeze %dma_wait3A_34 : memref<1x2048xf32, #tpu.memory_space<hbm>> -> memref<2048xf32, #tpu.memory_space<hbm>>
    tpu.wait_dma2 semaphore(%arg11 : memref<!tpu.dma_semaphore, #tpu.memory_space<semaphore_mem>>) src(%dma_wait3A_35 : memref<2048xf32, #tpu.memory_space<hbm>>) dst(%arg6 : memref<2048xf32, #tpu.memory_space<vmem>>)
    %dma_wait3A_36 = arith.constant 0 : i32
    %dma_wait3A_37 = tpu.memref_slice %arg7[%dma_wait3A_36] : memref<4112xf32, #tpu.memory_space<vmem>> -> memref<4096xf32, #tpu.memory_space<vmem>>
    %dma_wait3A_38 = arith.constant 0 : i32
    %dma_wait3A_39 = tpu.memref_slice %arg3[%arg1, %dma_wait3A_38] : memref<16x4096xf32, #tpu.memory_space<hbm>> -> memref<1x4096xf32, #tpu.memory_space<hbm>>
    %dma_wait3A_40 = tpu.memref_squeeze %dma_wait3A_39 : memref<1x4096xf32, #tpu.memory_space<hbm>> -> memref<4096xf32, #tpu.memory_space<hbm>>
    %dma_wait3A_41 = arith.constant 0 : i32
    %dma_wait3A_42 = tpu.memref_slice %arg7[%dma_wait3A_41] : memref<4112xf32, #tpu.memory_space<vmem>> -> memref<4096xf32, #tpu.memory_space<vmem>>
    %dma_wait3A_43 = arith.constant 0 : i32
    %dma_wait3A_44 = tpu.memref_slice %arg3[%arg1, %dma_wait3A_43] : memref<16x4096xf32, #tpu.memory_space<hbm>> -> memref<1x4096xf32, #tpu.memory_space<hbm>>
    %dma_wait3A_45 = tpu.memref_squeeze %dma_wait3A_44 : memref<1x4096xf32, #tpu.memory_space<hbm>> -> memref<4096xf32, #tpu.memory_space<hbm>>
    tpu.wait_dma2 semaphore(%arg12 : memref<!tpu.dma_semaphore, #tpu.memory_space<semaphore_mem>>) src(%dma_wait3A_45 : memref<4096xf32, #tpu.memory_space<hbm>>) dst(%dma_wait3A_42 : memref<4096xf32, #tpu.memory_space<vmem>>)
    %scan3A_46 = arith.constant 0 : i32
    %scan3A_47 = arith.constant 0 : i32
    %scan3A_48 = arith.constant 32 : i32
    %scan3A_49 = arith.addi %scan3A_47, %scan3A_48 : i32
    %scan3A_50 = arith.constant 1 : i32
    %scan3A_51:2 = scf.for %scan3A_73 = %scan3A_47 to %scan3A_49 step %scan3A_50 iter_args(%scan3A_74 = %select_n3A, %scan3A_75 = %scan3A_46) -> (i32, i32)  : i32 {
      %mul3A_76 = arith.constant 128 : i32
      %mul3A_77 = arith.muli %arg0, %mul3A_76 : i32
      %mul3A_78 = arith.constant 4 : i32
      %mul3A_79 = arith.muli %scan3A_73, %mul3A_78 : i32
      %add3A_80 = arith.addi %mul3A_77, %mul3A_79 : i32
      %mul3A_81 = arith.constant 16 : i32
      %mul3A_82 = arith.muli %add3A_80, %mul3A_81 : i32
      %get3A = arith.index_cast %mul3A_82 : i32 to index
      %get3A_83 = tpu.vector_load %arg8[%get3A] {strides = array<i32>} : memref<4096xi32, #tpu.memory_space<vmem>>, vector<16xi32>,
      %ne3A = arith.constant 0 : i32
      %ne3A_84 = vector.broadcast %ne3A : i32 to vector<16xi32>
      %ne3A_85 = arith.cmpi ne, %get3A_83, %ne3A_84 : vector<16xi32>
      %mul3A_86 = arith.constant 128 : i32
      %mul3A_87 = arith.muli %arg0, %mul3A_86 : i32
      %sub3A_88 = arith.subi %add3A_80, %mul3A_87 : i32
      %mul3A_89 = arith.constant 16 : i32
      %mul3A_90 = arith.muli %sub3A_88, %mul3A_89 : i32
      %get3A_91 = arith.index_cast %mul3A_90 : i32 to index
      %get3A_92 = tpu.vector_load %arg6[%get3A_91] {strides = array<i32>} : memref<2048xf32, #tpu.memory_space<vmem>>, vector<16xf32>,
      %load3A = arith.index_cast %scan3A_74 : i32 to index
      %load3A_93 = tpu.vector_load %arg7[%load3A] masked %ne3A_85 {strides = array<i32>} : memref<4112xf32, #tpu.memory_space<vmem>>, vector<16xf32>, vector<16xi1>
      %bitcast_convert_type3A = tpu.bitcast %get3A_92 : vector<16xf32> -> vector<16xi32>
      %bitcast_convert_type3A_94 = tpu.bitcast %load3A_93 : vector<16xf32> -> vector<16xi32>
      %xor3A = arith.xori %bitcast_convert_type3A, %bitcast_convert_type3A_94 : vector<16xi32>
      %lt3A = arith.constant 0 : i32
      %lt3A_95 = vector.broadcast %lt3A : i32 to vector<16xi32>
      %lt3A_96 = arith.cmpi slt, %xor3A, %lt3A_95 : vector<16xi32>
      %and3A_97 = arith.andi %lt3A_96, %ne3A_85 : vector<16xi1>
      %all_reduce_population_count3A = tpu.all_reduce %ne3A_85 {dim = 0 : i64, kind = #tpu.reduction_kind<sum>} : vector<16xi1> -> vector<16xi32>
      %slice3A = vector.extract_strided_slice %all_reduce_population_count3A {offsets = [0], sizes = [1], strides = [1]} : vector<16xi32> to vector<1xi32>
      %squeeze3A = vector.extract %slice3A[0] : i32 from vector<1xi32>
      %add3A_98 = arith.addi %scan3A_74, %squeeze3A : i32
      %all_reduce_population_count3A_99 = tpu.all_reduce %and3A_97 {dim = 0 : i64, kind = #tpu.reduction_kind<sum>} : vector<16xi1> -> vector<16xi32>
      %slice3A_100 = vector.extract_strided_slice %all_reduce_population_count3A_99 {offsets = [0], sizes = [1], strides = [1]} : vector<16xi32> to vector<1xi32>
      %squeeze3A_101 = vector.extract %slice3A_100[0] : i32 from vector<1xi32>
      %add3A_102 = arith.addi %scan3A_75, %squeeze3A_101 : i32
      %add3A_103 = arith.constant 1 : i32
      %add3A_104 = arith.addi %add3A_80, %add3A_103 : i32
      %mul3A_105 = arith.constant 16 : i32
      %mul3A_106 = arith.muli %add3A_104, %mul3A_105 : i32
      %get3A_107 = arith.index_cast %mul3A_106 : i32 to index
      %get3A_108 = tpu.vector_load %arg8[%get3A_107] {strides = array<i32>} : memref<4096xi32, #tpu.memory_space<vmem>>, vector<16xi32>,
      %ne3A_109 = arith.constant 0 : i32
      %ne3A_110 = vector.broadcast %ne3A_109 : i32 to vector<16xi32>
      %ne3A_111 = arith.cmpi ne, %get3A_108, %ne3A_110 : vector<16xi32>
      %mul3A_112 = arith.constant 128 : i32
      %mul3A_113 = arith.muli %arg0, %mul3A_112 : i32
      %sub3A_114 = arith.subi %add3A_104, %mul3A_113 : i32
      %mul3A_115 = arith.constant 16 : i32
      %mul3A_116 = arith.muli %sub3A_114, %mul3A_115 : i32
      %get3A_117 = arith.index_cast %mul3A_116 : i32 to index
      %get3A_118 = tpu.vector_load %arg6[%get3A_117] {strides = array<i32>} : memref<2048xf32, #tpu.memory_space<vmem>>, vector<16xf32>,
      %load3A_119 = arith.index_cast %add3A_98 : i32 to index
      %load3A_120 = tpu.vector_load %arg7[%load3A_119] masked %ne3A_111 {strides = array<i32>} : memref<4112xf32, #tpu.memory_space<vmem>>, vector<16xf32>, vector<16xi1>
      %bitcast_convert_type3A_121 = tpu.bitcast %get3A_118 : vector<16xf32> -> vector<16xi32>
      %bitcast_convert_type3A_122 = tpu.bitcast %load3A_120 : vector<16xf32> -> vector<16xi32>
      %xor3A_123 = arith.xori %bitcast_convert_type3A_121, %bitcast_convert_type3A_122 : vector<16xi32>
      %lt3A_124 = arith.constant 0 : i32
      %lt3A_125 = vector.broadcast %lt3A_124 : i32 to vector<16xi32>
      %lt3A_126 = arith.cmpi slt, %xor3A_123, %lt3A_125 : vector<16xi32>
      %and3A_127 = arith.andi %lt3A_126, %ne3A_111 : vector<16xi1>
      %all_reduce_population_count3A_128 = tpu.all_reduce %ne3A_111 {dim = 0 : i64, kind = #tpu.reduction_kind<sum>} : vector<16xi1> -> vector<16xi32>
      %slice3A_129 = vector.extract_strided_slice %all_reduce_population_count3A_128 {offsets = [0], sizes = [1], strides = [1]} : vector<16xi32> to vector<1xi32>
      %squeeze3A_130 = vector.extract %slice3A_129[0] : i32 from vector<1xi32>
      %add3A_131 = arith.addi %add3A_98, %squeeze3A_130 : i32
      %all_reduce_population_count3A_132 = tpu.all_reduce %and3A_127 {dim = 0 : i64, kind = #tpu.reduction_kind<sum>} : vector<16xi1> -> vector<16xi32>
      %slice3A_133 = vector.extract_strided_slice %all_reduce_population_count3A_132 {offsets = [0], sizes = [1], strides = [1]} : vector<16xi32> to vector<1xi32>
      %squeeze3A_134 = vector.extract %slice3A_133[0] : i32 from vector<1xi32>
      %add3A_135 = arith.addi %add3A_102, %squeeze3A_134 : i32
      %add3A_136 = arith.constant 2 : i32
      %add3A_137 = arith.addi %add3A_80, %add3A_136 : i32
      %mul3A_138 = arith.constant 16 : i32
      %mul3A_139 = arith.muli %add3A_137, %mul3A_138 : i32
      %get3A_140 = arith.index_cast %mul3A_139 : i32 to index
      %get3A_141 = tpu.vector_load %arg8[%get3A_140] {strides = array<i32>} : memref<4096xi32, #tpu.memory_space<vmem>>, vector<16xi32>,
      %ne3A_142 = arith.constant 0 : i32
      %ne3A_143 = vector.broadcast %ne3A_142 : i32 to vector<16xi32>
      %ne3A_144 = arith.cmpi ne, %get3A_141, %ne3A_143 : vector<16xi32>
      %mul3A_145 = arith.constant 128 : i32
      %mul3A_146 = arith.muli %arg0, %mul3A_145 : i32
      %sub3A_147 = arith.subi %add3A_137, %mul3A_146 : i32
      %mul3A_148 = arith.constant 16 : i32
      %mul3A_149 = arith.muli %sub3A_147, %mul3A_148 : i32
      %get3A_150 = arith.index_cast %mul3A_149 : i32 to index
      %get3A_151 = tpu.vector_load %arg6[%get3A_150] {strides = array<i32>} : memref<2048xf32, #tpu.memory_space<vmem>>, vector<16xf32>,
      %load3A_152 = arith.index_cast %add3A_131 : i32 to index
      %load3A_153 = tpu.vector_load %arg7[%load3A_152] masked %ne3A_144 {strides = array<i32>} : memref<4112xf32, #tpu.memory_space<vmem>>, vector<16xf32>, vector<16xi1>
      %bitcast_convert_type3A_154 = tpu.bitcast %get3A_151 : vector<16xf32> -> vector<16xi32>
      %bitcast_convert_type3A_155 = tpu.bitcast %load3A_153 : vector<16xf32> -> vector<16xi32>
      %xor3A_156 = arith.xori %bitcast_convert_type3A_154, %bitcast_convert_type3A_155 : vector<16xi32>
      %lt3A_157 = arith.constant 0 : i32
      %lt3A_158 = vector.broadcast %lt3A_157 : i32 to vector<16xi32>
      %lt3A_159 = arith.cmpi slt, %xor3A_156, %lt3A_158 : vector<16xi32>
      %and3A_160 = arith.andi %lt3A_159, %ne3A_144 : vector<16xi1>
      %all_reduce_population_count3A_161 = tpu.all_reduce %ne3A_144 {dim = 0 : i64, kind = #tpu.reduction_kind<sum>} : vector<16xi1> -> vector<16xi32>
      %slice3A_162 = vector.extract_strided_slice %all_reduce_population_count3A_161 {offsets = [0], sizes = [1], strides = [1]} : vector<16xi32> to vector<1xi32>
      %squeeze3A_163 = vector.extract %slice3A_162[0] : i32 from vector<1xi32>
      %add3A_164 = arith.addi %add3A_131, %squeeze3A_163 : i32
      %all_reduce_population_count3A_165 = tpu.all_reduce %and3A_160 {dim = 0 : i64, kind = #tpu.reduction_kind<sum>} : vector<16xi1> -> vector<16xi32>
      %slice3A_166 = vector.extract_strided_slice %all_reduce_population_count3A_165 {offsets = [0], sizes = [1], strides = [1]} : vector<16xi32> to vector<1xi32>
      %squeeze3A_167 = vector.extract %slice3A_166[0] : i32 from vector<1xi32>
      %add3A_168 = arith.addi %add3A_135, %squeeze3A_167 : i32
      %add3A_169 = arith.constant 3 : i32
      %add3A_170 = arith.addi %add3A_80, %add3A_169 : i32
      %mul3A_171 = arith.constant 16 : i32
      %mul3A_172 = arith.muli %add3A_170, %mul3A_171 : i32
      %get3A_173 = arith.index_cast %mul3A_172 : i32 to index
      %get3A_174 = tpu.vector_load %arg8[%get3A_173] {strides = array<i32>} : memref<4096xi32, #tpu.memory_space<vmem>>, vector<16xi32>,
      %ne3A_175 = arith.constant 0 : i32
      %ne3A_176 = vector.broadcast %ne3A_175 : i32 to vector<16xi32>
      %ne3A_177 = arith.cmpi ne, %get3A_174, %ne3A_176 : vector<16xi32>
      %mul3A_178 = arith.constant 128 : i32
      %mul3A_179 = arith.muli %arg0, %mul3A_178 : i32
      %sub3A_180 = arith.subi %add3A_170, %mul3A_179 : i32
      %mul3A_181 = arith.constant 16 : i32
      %mul3A_182 = arith.muli %sub3A_180, %mul3A_181 : i32
      %get3A_183 = arith.index_cast %mul3A_182 : i32 to index
      %get3A_184 = tpu.vector_load %arg6[%get3A_183] {strides = array<i32>} : memref<2048xf32, #tpu.memory_space<vmem>>, vector<16xf32>,
      %load3A_185 = arith.index_cast %add3A_164 : i32 to index
      %load3A_186 = tpu.vector_load %arg7[%load3A_185] masked %ne3A_177 {strides = array<i32>} : memref<4112xf32, #tpu.memory_space<vmem>>, vector<16xf32>, vector<16xi1>
      %bitcast_convert_type3A_187 = tpu.bitcast %get3A_184 : vector<16xf32> -> vector<16xi32>
      %bitcast_convert_type3A_188 = tpu.bitcast %load3A_186 : vector<16xf32> -> vector<16xi32>
      %xor3A_189 = arith.xori %bitcast_convert_type3A_187, %bitcast_convert_type3A_188 : vector<16xi32>
      %lt3A_190 = arith.constant 0 : i32
      %lt3A_191 = vector.broadcast %lt3A_190 : i32 to vector<16xi32>
      %lt3A_192 = arith.cmpi slt, %xor3A_189, %lt3A_191 : vector<16xi32>
      %and3A_193 = arith.andi %lt3A_192, %ne3A_177 : vector<16xi1>
      %all_reduce_population_count3A_194 = tpu.all_reduce %ne3A_177 {dim = 0 : i64, kind = #tpu.reduction_kind<sum>} : vector<16xi1> -> vector<16xi32>
      %slice3A_195 = vector.extract_strided_slice %all_reduce_population_count3A_194 {offsets = [0], sizes = [1], strides = [1]} : vector<16xi32> to vector<1xi32>
      %squeeze3A_196 = vector.extract %slice3A_195[0] : i32 from vector<1xi32>
      %add3A_197 = arith.addi %add3A_164, %squeeze3A_196 : i32
      %all_reduce_population_count3A_198 = tpu.all_reduce %and3A_193 {dim = 0 : i64, kind = #tpu.reduction_kind<sum>} : vector<16xi1> -> vector<16xi32>
      %slice3A_199 = vector.extract_strided_slice %all_reduce_population_count3A_198 {offsets = [0], sizes = [1], strides = [1]} : vector<16xi32> to vector<1xi32>
      %squeeze3A_200 = vector.extract %slice3A_199[0] : i32 from vector<1xi32>
      %add3A_201 = arith.addi %add3A_168, %squeeze3A_200 : i32
      scf.yield %add3A_197, %add3A_201 : i32, i32
    }
    %scan3A_52 = arith.constant 32 : i32
    %sub3A = arith.subi %scan3A_51#0, %select_n3A : i32
    %iota3A = tpu.iota {dimensions = array<i32: 0>} : vector<16xi32>
    %eq3A_53 = arith.constant 0 : i32
    %eq3A_54 = vector.broadcast %eq3A_53 : i32 to vector<16xi32>
    %eq3A_55 = arith.cmpi eq, %iota3A, %eq3A_54 : vector<16xi32>
    %convert_element_type3A = arith.sitofp %scan3A_51#1 : i32 to f32
    %jit3A_56 = arith.constant 0.000000e+00 : f32
    %broadcast_in_dim3A = vector.broadcast %convert_element_type3A : f32 to vector<16xf32>
    %broadcast_in_dim3A_57 = vector.broadcast %jit3A_56 : f32 to vector<16xf32>
    %select_n3A_58 = arith.select %eq3A_55, %broadcast_in_dim3A, %broadcast_in_dim3A_57 : vector<16xi1>, vector<16xf32>
    %swap3A = arith.constant 0 : index
    %swap3A_59 = tpu.vector_load %arg9[%swap3A] {strides = array<i32>} : memref<32xf32, #tpu.memory_space<vmem>>, vector<16xf32>,
    tpu.vector_store %arg9[%swap3A], %select_n3A_58 {strides = array<i32>} : memref<32xf32, #tpu.memory_space<vmem>>, vector<16xf32>,
    %convert_element_type3A_60 = arith.sitofp %sub3A : i32 to f32
    %jit3A_61 = arith.constant 0.000000e+00 : f32
    %broadcast_in_dim3A_62 = vector.broadcast %convert_element_type3A_60 : f32 to vector<16xf32>
    %broadcast_in_dim3A_63 = vector.broadcast %jit3A_61 : f32 to vector<16xf32>
    %select_n3A_64 = arith.select %eq3A_55, %broadcast_in_dim3A_62, %broadcast_in_dim3A_63 : vector<16xi1>, vector<16xf32>
    %swap3A_65 = arith.constant 16 : index
    %swap3A_66 = tpu.vector_load %arg9[%swap3A_65] {strides = array<i32>} : memref<32xf32, #tpu.memory_space<vmem>>, vector<16xf32>,
    tpu.vector_store %arg9[%swap3A_65], %select_n3A_64 {strides = array<i32>} : memref<32xf32, #tpu.memory_space<vmem>>, vector<16xf32>,
    %mul3A_67 = arith.constant 2 : i32
    %mul3A_68 = arith.muli %arg1, %mul3A_67 : i32
    %add3A = arith.addi %mul3A_68, %arg0 : i32
    %shift_right_logical3A = arith.constant 2 : i32
    %shift_right_logical3A_69 = arith.shrui %add3A, %shift_right_logical3A : i32
    %and3A = arith.constant 3 : i32
    %and3A_70 = arith.andi %add3A, %and3A : i32
    %mul3A_71 = arith.constant 32 : i32
    %mul3A_72 = arith.muli %and3A_70, %mul3A_71 : i32
    "tpu.region"() ({
      %run_scoped3A = tpu.sem_alloc : memref<!tpu.dma_semaphore, #tpu.memory_space<semaphore_mem>>
      %dma_start3A_73 = tpu.memref_slice %arg5[%shift_right_logical3A_69, %mul3A_72] : memref<8x128xf32, #tpu.memory_space<hbm>> -> memref<1x32xf32, #tpu.memory_space<hbm>>
      %dma_start3A_74 = tpu.memref_squeeze %dma_start3A_73 : memref<1x32xf32, #tpu.memory_space<hbm>> -> memref<32xf32, #tpu.memory_space<hbm>>
      %dma_start3A_75 = tpu.memref_slice %arg5[%shift_right_logical3A_69, %mul3A_72] : memref<8x128xf32, #tpu.memory_space<hbm>> -> memref<1x32xf32, #tpu.memory_space<hbm>>
      %dma_start3A_76 = tpu.memref_squeeze %dma_start3A_75 : memref<1x32xf32, #tpu.memory_space<hbm>> -> memref<32xf32, #tpu.memory_space<hbm>>
      tpu.enqueue_dma source(%arg9 : memref<32xf32, #tpu.memory_space<vmem>>) target(%dma_start3A_76 : memref<32xf32, #tpu.memory_space<hbm>>) target_semaphore(%run_scoped3A : memref<!tpu.dma_semaphore, #tpu.memory_space<semaphore_mem>>)
      %dma_wait3A_77 = tpu.memref_slice %arg5[%shift_right_logical3A_69, %mul3A_72] : memref<8x128xf32, #tpu.memory_space<hbm>> -> memref<1x32xf32, #tpu.memory_space<hbm>>
      %dma_wait3A_78 = tpu.memref_squeeze %dma_wait3A_77 : memref<1x32xf32, #tpu.memory_space<hbm>> -> memref<32xf32, #tpu.memory_space<hbm>>
      %dma_wait3A_79 = tpu.memref_slice %arg5[%shift_right_logical3A_69, %mul3A_72] : memref<8x128xf32, #tpu.memory_space<hbm>> -> memref<1x32xf32, #tpu.memory_space<hbm>>
      %dma_wait3A_80 = tpu.memref_squeeze %dma_wait3A_79 : memref<1x32xf32, #tpu.memory_space<hbm>> -> memref<32xf32, #tpu.memory_space<hbm>>
      tpu.wait_dma2 semaphore(%run_scoped3A : memref<!tpu.dma_semaphore, #tpu.memory_space<semaphore_mem>>) src(%arg9 : memref<32xf32, #tpu.memory_space<vmem>>) dst(%dma_wait3A_80 : memref<32xf32, #tpu.memory_space<hbm>>)
      tpu.yield
    }) : () -> ()
    return
  }
}

module attributes {stable_mosaic.version = 14 : i64} {
  func.func @_reduce_body(%arg0: memref<8x128xf32, #tpu.memory_space<vmem>>, %arg1: memref<1x1xf32, #tpu.memory_space<vmem>>) attributes {dimension_semantics = [], scalar_prefetch = 0 : i64, scratch_operands = 0 : i64, tpu.core_type = #tpu.core_type<tc>} {
    %get3A = arith.constant 0 : index
    %get3A_0 = arith.constant 0 : index
    %get3A_1 = vector.load %arg0[%get3A, %get3A_0] : memref<8x128xf32, #tpu.memory_space<vmem>>, vector<8x128xf32>
    %iota3A = tpu.iota {dimensions = array<i32: 1>} : vector<8x128xi32>
    %and3A = arith.constant 16 : i32
    %and3A_2 = vector.broadcast %and3A : i32 to vector<8x128xi32>
    %and3A_3 = arith.andi %iota3A, %and3A_2 : vector<8x128xi32>
    %eq3A = arith.constant 0 : i32
    %eq3A_4 = vector.broadcast %eq3A : i32 to vector<8x128xi32>
    %eq3A_5 = arith.cmpi eq, %and3A_3, %eq3A_4 : vector<8x128xi32>
    %jit3A = arith.constant 0.000000e+00 : f32
    %broadcast_in_dim3A = vector.broadcast %jit3A : f32 to vector<8x128xf32>
    %select_n3A = arith.select %eq3A_5, %get3A_1, %broadcast_in_dim3A : vector<8x128xi1>, vector<8x128xf32>
    %reduce_sum3A = vector.shape_cast %select_n3A : vector<8x128xf32> to vector<1x8x128xf32>
    %reduce_sum3A_6 = arith.constant dense<0.000000e+00> : vector<1xf32>
    %reduce_sum3A_7 = vector.multi_reduction <add>, %reduce_sum3A, %reduce_sum3A_6 [1, 2] : vector<1x8x128xf32> to vector<1xf32>
    %reduce_sum3A_8 = vector.shape_cast %reduce_sum3A_7 : vector<1xf32> to vector<1x1x1xf32>
    %reduce_sum3A_9 = vector.extract %reduce_sum3A_8[0, 0, 0] : f32 from vector<1x1x1xf32>
    %jit3A_10 = arith.constant 0.000000e+00 : f32
    %broadcast_in_dim3A_11 = vector.broadcast %jit3A_10 : f32 to vector<8x128xf32>
    %select_n3A_12 = arith.select %eq3A_5, %broadcast_in_dim3A_11, %get3A_1 : vector<8x128xi1>, vector<8x128xf32>
    %reduce_sum3A_13 = vector.shape_cast %select_n3A_12 : vector<8x128xf32> to vector<1x8x128xf32>
    %reduce_sum3A_14 = arith.constant dense<0.000000e+00> : vector<1xf32>
    %reduce_sum3A_15 = vector.multi_reduction <add>, %reduce_sum3A_13, %reduce_sum3A_14 [1, 2] : vector<1x8x128xf32> to vector<1xf32>
    %reduce_sum3A_16 = vector.shape_cast %reduce_sum3A_15 : vector<1xf32> to vector<1x1x1xf32>
    %reduce_sum3A_17 = vector.extract %reduce_sum3A_16[0, 0, 0] : f32 from vector<1x1x1xf32>
    %mul3A = arith.constant 1.000000e+02 : f32
    %mul3A_18 = arith.mulf %mul3A, %reduce_sum3A_9 : f32
    %div3A = arith.divf %mul3A_18, %reduce_sum3A_17 : f32
    %broadcast_in_dim3A_19 = vector.broadcast %div3A : f32 to vector<1x1xf32>
    %swap3A = arith.constant 0 : index
    %swap3A_20 = arith.constant 0 : index
    %swap3A_21 = vector.load %arg1[%swap3A, %swap3A_20] : memref<1x1xf32, #tpu.memory_space<vmem>>, vector<1x1xf32>
    tpu.vector_store %arg1[%swap3A, %swap3A_20], %broadcast_in_dim3A_19 {strides = array<i32>} : memref<1x1xf32, #tpu.memory_space<vmem>>, vector<1x1xf32>,
    return
  }
}

</mosaic_0001>

<sc_bundles>
// kernel: kernel.4.cloned.1.call-start
scs
__scs_entry_jumppad:
0x0: {  	(pc) =	sbr.rel $0x88, $3  }
0x1: {  	(tag) =	ssettag $0x0;
	lr =	simm.s32 $0x1  }
0x2: {  	[smem:$0x3F9E] =	sst lr;
	_ =	strace $0xD0000000  }
0x3: {  	_ = 	snop  }
0x4: {  	_ = 	snop  }
0x5: {  	_ = 	snop  }
0x6: {  	_ = 	snop  }
0x7: {  	_ = 	snop  }
__scs_overlays_trampoline_lowered:
0x8: {  	[smem:$0x3FAD] =	sst s0  }
0x9: {  	[smem:$0x3FAE] =	sst s1  }
0xa: {  	[smem:$0x3FAF] =	sst s2  }
0xb: {  	[smem:$0x3FB0] =	sst s3  }
0xc: {  	[smem:$0x3FB1] =	sst s4  }
0xd: {  	[smem:$0x3FB2] =	sst s5  }
0xe: {  	[smem:$0x3FB3] =	sst s6  }
0xf: {  	[smem:$0x3FB4] =	sst s7  }
0x10: {  	[smem:$0x3FB5] =	sst s8  }
0x11: {  	[smem:$0x3FB6] =	sst s9;
	s0 =	simm.s32 @!p0 $0x0  }
0x12: {  	s1 =	sld [smem:$0x3F9C];
	s0 =	simm.s32 @p0 $0x1  }
0x13: {  	[smem:$0x3FB7] =	sst s0;
	s0 =	simm.s32 @!p1 $0x0  }
0x14: {  	s2 =	sld [smem:$0x3F9B];
	s0 =	simm.s32 @p1 $0x1  }
0x15: {  	[smem:$0x3FB8] =	sst s0;
	s0 =	simm.s32 @!p2 $0x0  }
0x16: {  	s3 =	sld [smem:$0x3FDB];
	s0 =	simm.s32 @p2 $0x1  }
0x17: {  	s4 =	simm.s32 $0x1BF5;
	[smem:$0x3FBA] =	sst s0  }
0x18: {  	s0 =	sld [smem:$0x3F9D];
	_ =	swait.ge [sflag:s4], $0x0  }
0x19: {  	s7 =	sld [smem:$0x3F9E]  }
0x1a: {  	s8 =	sadd.s32 $0xFFFFE003, lr  }
0x1b: {  	s9 =	sadd.s32 $0xFFFFFEF7, lr;
	s5 =	simm.s32 $0xFFFFFFFF;
	p2 =	slt.u32 s8, $0xFFFFF086  }
0x1c: {  	p1 =	slt.u32 s9, $0xF7A;
	s5 =	simm.s32 @!p2 $0x0  }
0x1d: {  	s5 =	simm.s32 @p1 $0x1;
	p0 =	seq.s32 s7, s2  }
0x1e: {  	s7 =	smul.u32 @!p0 $0xF7A, s2;
	p2 =	seq.s32 @!p0 s5, $0x0  }
0x1f: {  	s9 =	smul.u32 $0xF7A, s1;
	s8 =	simm.s32 @!p0 $0x1BF5;
	p2 =	por !p2, p0  }
0x20: {  	[sflag:s8] =	ssyncset.s32 @!p0 $0xFFFFF086;
	s6 =	sadd.s32 @!p0 s3, s7;
	s7 =	simm.s32 @!p0 $0x108  }
0x21: {  	s3 =	sadd.s32 s3, s9;
	s6 =	sadd.s32 @!p0 $0x88, s6;
	s7 =	simm.s32 @p2 $0x1082  }
0x22: {  	[simem:s7], [sflag:s8] =	dma.local @!p0 [hbm:s6], $0xF7A  }
0x23: {  	s9 =	sor.u32 $0xD0000000, s2;
	s6 =	simm.s32 $0x108;
	_ =	swait.ge @!p0 [sflag:s8], $0x0  }
0x24: {  	s3 =	sadd.s32 $0x88, s3;
	s6 =	simm.s32 @!p1 $0x1082;
	[sflag:s4] =	ssyncset.s32 $0xFFFFF086  }
0x25: {  	[simem:s6], [sflag:s4] =	dma.local [hbm:s3], $0xF7A  }
0x26: {  	[smem:$0x3F9E] =	sst s1;
	(tag) =	ssettag s2;
	_ =	strace s9  }
0x27: {  	s1 =	sld [smem:$0x3FAE]  }
0x28: {  	s2 =	sld [smem:$0x3FAF]  }
0x29: {  	s4 =	sld [smem:$0x3FB1]  }
0x2a: {  	p0 =	seq.s32 s5, $0x0;
	s5 =	sld [smem:$0x3FB2]  }
0x2b: {  	s6 =	sld [smem:$0x3FB3]  }
0x2c: {  	s7 =	sld [smem:$0x3FB4]  }
0x2d: {  	s3 =	simm.s32 $0x108;
	s8 =	sld [smem:$0x3FB5]  }
0x2e: {  	s3 =	simm.s32 @!p0 $0x1082;
	s9 =	sld [smem:$0x3FB6]  }
0x2f: {  	lr =	sadd.s32 s0, s3;
	s0 =	sld [smem:$0x3FAD]  }
0x30: {  	s3 =	sld [smem:$0x3FB0]  }
0x31: {  	[smem:$0x3FB9] =	sst s10  }
0x32: {  	s10 =	sld [smem:$0x3FB7];
	_ =	sdelay $0x3  }
0x33: {  	p0 =	seq.s32 s10, $0x1;
	s10 =	sld [smem:$0x3FB9];
	_ =	sdelay $0x3  }
0x34: {  	[smem:$0x3FB9] =	sst s10  }
0x35: {  	s10 =	sld [smem:$0x3FB8];
	_ =	sdelay $0x3  }
0x36: {  	p1 =	seq.s32 s10, $0x1;
	s10 =	sld [smem:$0x3FB9];
	_ =	sdelay $0x3  }
0x37: {  	[smem:$0x3FB9] =	sst s10  }
0x38: {  	s10 =	sld [smem:$0x3FBA]  }
0x39: {  	_ = 	snop;
	(pc) =	sbr.ind lr, $3  }
0x3a: {  	_ = 	snop  }
0x3b: {  	_ = 	snop  }
0x3c: {  	p2 =	seq.s32 s10, $0x1;
	s10 =	sld [smem:$0x3FB9]  }
0x3d: {  	_ =	shalt  }
0x3e: {  	_ =	shalt  }
0x3f: {  	_ =	shalt  }
0x40: {  	_ =	shalt  }
0x41: {  	_ =	shalt  }
0x42: {  	_ =	shalt  }
0x43: {  	_ =	shalt  }
0x44: {  	_ =	shalt  }
0x45: {  	_ =	shalt  }
0x46: {  	_ =	shalt  }
0x47: {  	_ =	shalt  }
0x48: {  	_ =	shalt  }
0x49: {  	_ =	shalt  }
0x4a: {  	_ =	shalt  }
0x4b: {  	_ =	shalt  }
0x4c: {  	_ =	shalt  }
0x4d: {  	_ =	shalt  }
0x4e: {  	_ =	shalt  }
0x4f: {  	_ =	shalt  }
0x50: {  	_ =	shalt  }
0x51: {  	_ =	shalt  }
0x52: {  	_ =	shalt  }
0x53: {  	_ =	shalt  }
0x54: {  	_ =	shalt  }
0x55: {  	_ =	shalt  }
0x56: {  	_ =	shalt  }
0x57: {  	_ =	shalt  }
0x58: {  	_ =	shalt  }
0x59: {  	_ =	shalt  }
0x5a: {  	_ =	shalt  }
0x5b: {  	_ =	shalt  }
0x5c: {  	_ =	shalt  }
0x5d: {  	_ =	shalt  }
0x5e: {  	_ =	shalt  }
0x5f: {  	_ =	shalt  }
0x60: {  	_ =	shalt  }
0x61: {  	_ =	shalt  }
0x62: {  	_ =	shalt  }
0x63: {  	_ =	shalt  }
0x64: {  	_ =	shalt  }
0x65: {  	_ =	shalt  }
0x66: {  	_ =	shalt  }
0x67: {  	_ =	shalt  }
0x68: {  	_ =	shalt  }
0x69: {  	_ =	shalt  }
0x6a: {  	_ =	shalt  }
0x6b: {  	_ =	shalt  }
0x6c: {  	_ =	shalt  }
0x6d: {  	_ =	shalt  }
0x6e: {  	_ =	shalt  }
0x6f: {  	_ =	shalt  }
0x70: {  	_ =	shalt  }
0x71: {  	_ =	shalt  }
0x72: {  	_ =	shalt  }
0x73: {  	_ =	shalt  }
0x74: {  	_ =	shalt  }
0x75: {  	_ =	shalt  }
0x76: {  	_ =	shalt  }
0x77: {  	_ =	shalt  }
0x78: {  	_ =	shalt  }
0x79: {  	_ =	shalt  }
0x7a: {  	_ =	shalt  }
0x7b: {  	_ =	shalt  }
0x7c: {  	_ =	shalt  }
0x7d: {  	_ =	shalt  }
0x7e: {  	_ =	shalt  }
0x7f: {  	_ =	shalt  }
0x80: {  	_ =	shalt  }
0x81: {  	_ =	shalt  }
0x82: {  	_ =	shalt  }
0x83: {  	_ =	shalt  }
0x84: {  	_ =	shalt  }
0x85: {  	_ =	shalt  }
0x86: {  	_ =	shalt  }
0x87: {  	_ =	shalt  }
.Lfunc_end0:
.L_simem_size_0:
called_computation_lowered:
.L_overlay_start_0:
0x88: {  	s2 =	sld [smem:$0x3FD9]  }
0x89: {  	s3 =	sld [smem:$0x3FFE];
	_ =	sdelay $0x1  }
0x8a: {  	s1 =	srdreg.scid  }
0x8b: {  	s0 =	sand.u32 $0x1, s1  }
0x8c: {  	s17 =	sshll.u32 s0, $0xA;
	s2 =	sadd.s32 s3, s2  }
0x8d: {  	s2 =	sadd.s32 s2, s17  }
0x8e: {  	[smem:$0x3FC5] =	sst s2  }
0x8f: {  	_ = 	snop  }
0x90: {  	s2 =	sld [smem:$0x3FC9]  }
0x91: {  	s18 =	sld [smem:$0x3FC8]  }
0x92: {  	s4 =	sld [smem:$0x3FC7];
	(tm) =	ssettm $0x1  }
0x93: {  	s5 =	sld [smem:$0x3FFB];
	_ =	sdelay $0x3  }
0x94: {  	_ =	strace s5  }
0x95: {  	s5 =	sld [smem:$0x3FFC];
	_ =	sdelay $0x3  }
0x96: {  	_ =	strace s5  }
0x97: {  	s5 =	sld [smem:$0x3FFD];
	_ =	sdelay $0x3  }
0x98: {  	_ =	strace s5  }
0x99: {  	_ =	strace $0x8FFFFFFF  }
0x9a: {  	s19 =	sld [smem:$0x3FDB];
	_ =	sdelay $0x1  }
0x9b: {  	s6 =	simm.s32 $_scs_section_size  }
0x9c: {  	s7 =	simm.s32 $_size__tile_overlayer_lowered;
	s8 =	simm.s32 $_tile_overlayer_lowered  }
0x9d: {  	s22 =	simm.s32 $0x1BFF;
	s21 =	sshll.u32 s8, $0x1;
	s5 =	sadd.s32 s6, s19  }
0x9e: {  	s9 =	simm.s32 $0x0;
	s20 =	sshll.u32 s7, $0x1;
	s7 =	sadd.s32 s21, s5  }
0x9f: {  	[timem:s9], [sflag:s22] =	dma.local [hbm:s7], s20  }
0xa0: {  	_ =	swait.ge [sflag:s22], s20  }
0xa1: {  	s6 =	ssub.s32 $0x0, s20;
	[sflag:s22] =	ssyncset.done $0x0  }
0xa2: {  	[sflag:s22] =	ssyncadd.s32 s6;
	_ =	sdelay $0x1  }
0xa3: {  	s23 =	simm.s32 $0x1B8B  }
0xa4: {  	_ =	swait.ge [sflag:s23], $0x1  }
0xa5: {  	[sflag:s23] =	ssyncset.done $0x0  }
0xa6: {  	s25 =	simm.s32 $0x1B8E;
	s24 =	sld [smem:$0x3FFE];
	[sflag:s23] =	ssyncadd.s32 $0xFFFFFFFF  }
0xa7: {  	s26 =	simm.s32 $execute0_lowered;
	[smem:$0x3FD2] =	sst s25  }
0xa8: {  	s7 =	sshll.u32 s26, $0x1;
	_ =	strace $0x80000046;
	[dreg:$0x1] =	wrdreg $0xFFFFFFFF  }
0xa9: {  	s28 =	simm.s32 $_size_execute0_lowered;
	s5 =	sadd.s32 s5, s7;
	[dreg:$0x0] =	wrdreg $0x0  }
0xaa: {  	s7 =	sshll.u32 s28, $0x1;
	[dreg:$0x2] =	wrdreg s5  }
0xab: {  	[dreg:$0x3] =	wrdreg s7  }
0xac: {  	[dreg:$0x4] =	wrdreg $0xC0  }
0xad: {  	_ =	task [dreg:s9], $0x5FFFF  }
0xae: {  	[dreg:$0x1] =	wrdreg $0xFFFFFFFF  }
0xaf: {  	[dreg:$0x0] =	wrdreg $0x60  }
0xb0: {  	[dreg:$0x2] =	wrdreg s2  }
0xb1: {  	[dreg:$0x3] =	wrdreg s18  }
0xb2: {  	[dreg:$0x4] =	wrdreg s4  }
0xb3: {  	[dreg:$0x5] =	wrdreg s24  }
0xb4: {  	[dreg:$0x6] =	wrdreg $0x9  }
0xb5: {  	_ =	task.clear_ibuf [dreg:s9], $0x7FFFF;
	_ =	strace $0x90000046  }
0xb6: {  	s29 =	simm.s32 $0x9;
	_ =	strace $0x80000048  }
0xb7: {  	_ =	swait.ge [sflag:s29], $0x1  }
0xb8: {  	[sflag:s29] =	ssyncadd.s32 $0xFFFFFFFF  }
0xb9: {  	_ =	strace $0x90000048  }
0xba: {  	_ =	sfence  }
0xbb: {  	s30 =	sld [smem:$0x0];
	_ =	sdelay $0x2  }
0xbc: {  	s31 =	sshll.u32 s1, $0xD;
	s1 =	sshrl.u32 s1, $0x2  }
0xbd: {  	s3 =	sand.u32 $0x4000, s31;
	s1 =	sadd.s32 s1, s30  }
0xbe: {  	s0 =	sor.u32 s3, s0;
	s1 =	sshll.u32 s1, $0x11  }
0xbf: {  	s0 =	sor.u32 s1, s0  }
0xc0: {  	s0 =	sadd.s32 $0x8F2B, s0  }
0xc1: {  	[sflag:s0] =	ssyncadd.remote.s32 $0x1  }
0xc2: {  	_ =	sfence.sel $0xFFFF  }
0xc3: {  	[dreg:$0x0] =	wrdreg $0xFFFFFFFF;
	(pc) =	sbr.abs _section_cstart, $3  }
0xc4: {  	[dreg:$0x1] =	wrdreg $0xFFFFFFFF  }
0xc5: {  	_ =	task.clear_ibuf [dreg:s9], $0x2FFFF;
	_ =	strace $0x9FFFFFFF  }
0xc6: {  	(tm) =	ssettm $0x7FFFFFFF  }
0xc7: {  	_ =	shalt  }
tec
execute0_lowered:
.L_overlay_start_1:
0x0: {  	(tag) =	ssettag $0x1  }
0x1: {  	s4 =	rddreg [dreg:$0x0]  }
0x2: {  	s5 =	rddreg [dreg:$0x1]  }
0x3: {  	s3 =	rddreg [dreg:$0x2]  }
0x4: {  	s6 =	rddreg [dreg:$0x3]  }
0x5: {  	s0 =	rddreg [dreg:$0x4]  }
0x6: {  	s1 =	simm.s32 $0x0;
	s2 =	srdreg.scid;
	s11 =	simm.s32 $0x800  }
0x7: {  	s12 =	simm.s32 $0x1;
	s14 =	simm.s32 $0x3;
	s15 =	simm.s32 $0x2880  }
0x8: {  	s16 =	simm.s32 $0x4;
	[smem:$0x7FF] =	sst s1;
	s13 =	sand.u32 $0x1, s2  }
0x9: {  	s2 =	stileid.u32;
	_ =	strace $0x80000047;
	s7 =	sshll.u32 s13, $0x2  }
0xa: {  	s8 =	sshll.u32 s2, $0xC;
	s9 =	sshll.u32 s2, $0x7;
	s26 =	ssub.s32 $0x2, s13  }
0xb: {  	s10 =	sshll.u32 s13, $0xE;
	s30 =	sshll.u32 s2, $0x3;
	s31 =	sshll.u32 s13, $0xB  }
0xc: {  	p0 =	seq.s32 s13, $0x0;
	s13 =	simm.s32 $0x2;
	s6 =	sadd.s32 s7, s6  }
0xd: {  	s8 =	sor.u32 s9, s8;
	s28 =	sshrl.u32 s26, $0x1;
	s17 =	sadd.s32 $0x18B0, s31  }
0xe: {  	s9 =	simm.s32 $0x400;
	s8 =	sand.u32 $0x8380, s8;
	s7 =	ssub.s32 s26, s28  }
0xf: {  	s6 =	sadd.s32 s30, s6;
	v0 =	vmov s17;
	s17 =	simm.s32 $0x0;
	s29 =	sshrl.u32 s8, $0x3  }
0x10: {  	s8 =	sor.u32 s10, s8;
	s6 =	sadd.s32 $0x600, s6;
	s7 =	smax.u32 s7, $0x1  }
0x11: {  	s10 =	simm.s32 $0x1880;
	s3 =	sadd.s32 s3, s29;
	s8 =	sshrl.u32 s8, $0x3  }
0x12: {  	vm0 =	vcmask $0x300;
	s5 =	sadd.s32 s5, s29;
	s4 =	sadd.s32 s4, s8;
	s8 =	simm.s32 $0x80  }
.LBB2_1:
0x13: {  	[tilespmem:s10], [sflag:$0x1] =	stream.strided.gather [hbm4b:s3+s8], $0x1000, s9, s8, $0x38;
	[tilespmem:$0x2900] =	vst v63  }
0x14: {  	_ = 	snop  }
0x15: {  	[tilespmem:s1], [sflag:$0x2] =	stream.strided.gather [hbm4b:s4+s8], $0x800, s9, s8, $0x38;
	[tilespmem:$0x2900] =	vst v63  }
0x16: {  	_ = 	snop  }
0x17: {  	[tilespmem:s11], [sflag:$0x3] =	stream.strided.gather [hbm4b:s5+s8], $0x1000, s9, s8, $0x38;
	[tilespmem:$0x2900] =	vst v63  }
0x18: {  	_ =	swait.ge [sflag:s12], $0x1000  }
0x19: {  	[sflag:s12] =	ssyncset.done $0x0  }
0x1a: {  	s18 =	simm.s32 $0x0;
	[sflag:s12] =	ssyncadd.s32 $0xFFFFF000  }
0x1b: {  	v1 =	vld [tilespmem:s18+$0x1880]  }
0x1c: {  	s29 =	simm.s32 $0x20;
	v2 =	vld [tilespmem:s18+$0x1890]  }
0x1d: {  	v3 =	vld [tilespmem:s29+$0x1880]  }
0x1e: {  	s30 =	simm.s32 $0x40;
	v4 =	vld [tilespmem:s29+$0x1890]  }
0x1f: {  	v5 =	vld [tilespmem:s30+$0x1880]  }
0x20: {  	vm1 =	vne.s32 v1, $0x0;
	v1 =	vld [tilespmem:s30+$0x1890]  }
0x21: {  	vm2 =	vne.s32 v2, $0x0;
	v2 =	vmpcnt.ones.xlane vm1  }
0x22: {  	vm1 =	vne.s32 v3, $0x0;
	v3 =	vmpcnt.ones.xlane vm2  }
0x23: {  	vm2 =	vne.s32 v4, $0x0;
	(v2sf) =	vpush v2, $0x0;
	v2 =	vmpcnt.ones.xlane vm1  }
0x24: {  	vm1 =	vne.s32 v5, $0x0;
	(v2sf) =	vpush v3, $0x0;
	v3 =	vmpcnt.ones.xlane vm2  }
0x25: {  	(v2sf) =	vpush v2, $0x0;
	vm2 =	vne.s32 v1, $0x0;
	v2 =	vmpcnt.ones.xlane vm1  }
0x26: {  	(v2sf) =	vpush v3, $0x0;
	v3 =	vmpcnt.ones.xlane vm2  }
0x27: {  	(v2sf) =	vpush v2, $0x0  }
0x28: {  	(v2sf) =	vpush v3, $0x0;
	_ =	sdelay $0x4  }
0x29: {  	s31 =	simm.s32 $0x60  }
0x2a: {  	v1 =	vld [tilespmem:s31+$0x1880]  }
0x2b: {  	v2 =	vld [tilespmem:s31+$0x1890];
	_ =	sdelay $0x1  }
0x2c: {  	s19 =	simm.s32 $0x200;
	s18 =	simm.s32 $0x0  }
.LBB2_2:
0x2d: {  	s20 =	sshra.s32 s19, $0x2;
	p1 =	sne.s32 s19, $0x1F80  }
.Ltmp0:
0x2e: {  	s19 =	sadd.s32 $0x80, s19;
	vm1 =	vne.s32 v1, $0x0;
	s21 =	spop (v2sf);
	(pc) =	sbr.rel @p1 .LBB2_2-.Ltmp0, $4  }
0x2f: {  	v1 =	vld [tilespmem:s20+$0x1880];
	vm2 =	vne.s32 v2, $0x0;
	v3 =	vmpcnt.ones.xlane vm1;
	s18 =	sadd.s32 s18, s21;
	s21 =	spop (v2sf)  }
0x30: {  	v2 =	vld [tilespmem:s20+$0x1890];
	v4 =	vmpcnt.ones.xlane vm2;
	s18 =	sadd.s32 s21, s18  }
0x31: {  	(v2sf) =	vpush v3, $0x0  }
0x32: {  	(v2sf) =	vpush v4, $0x0  }
0x33: {  	_ = 	snop  }
0x34: {  	vm1 =	vne.s32 v1, $0x0  }
0x35: {  	vm2 =	vne.s32 v2, $0x0;
	v1 =	vmpcnt.ones.xlane vm1  }
0x36: {  	v2 =	vmpcnt.ones.xlane vm2  }
0x37: {  	(v2sf) =	vpush v1, $0x0  }
0x38: {  	(v2sf) =	vpush v2, $0x0;
	_ =	sdelay $0x7  }
0x39: {  	s21 =	spop (v2sf)  }
0x3a: {  	s22 =	spop (v2sf)  }
0x3b: {  	s23 =	spop (v2sf)  }
0x3c: {  	s24 =	spop (v2sf)  }
0x3d: {  	s25 =	spop (v2sf)  }
0x3e: {  	s26 =	spop (v2sf)  }
0x3f: {  	s28 =	spop (v2sf)  }
0x40: {  	s29 =	spop (v2sf)  }
0x41: {  	_ =	swait.ge [sflag:s13], $0x800  }
0x42: {  	[sflag:s13] =	ssyncset.done $0x0  }
0x43: {  	[sflag:s13] =	ssyncadd.s32 $0xFFFFF800  }
0x44: {  	_ =	swait.ge [sflag:s14], $0x1000  }
0x45: {  	[sflag:s14] =	ssyncset.done $0x0  }
0x46: {  	s19 =	simm.s32 $0x0;
	[sflag:s14] =	ssyncadd.s32 $0xFFFFF000  }
0x47: {  	v1 =	vld.idx.msk [tilespmem:v0+s19+$0xFFFFFFE0 ss:$0x1], $0xffff  }
0x48: {  	v2 =	vld.idx.msk [tilespmem:v0+s19+$0xFFFFFFD0 ss:$0x1], $0xffff;
	_ =	sdelay $0x1  }
0x49: {  	v3 =	vld.idx.msk [tilespmem:v0+s19+$0xFFFFFFF0 ss:$0x1], $0xffff;
	_ =	sdelay $0x1  }
0x4a: {  	vm1 =	vne.s32 v1, $0x0  }
0x4b: {  	vm2 =	vne.s32 v2, $0x0;
	v1 =	vmpcnt.ones.xlane vm1  }
0x4c: {  	v2 =	vmpcnt.ones.xlane vm2  }
0x4d: {  	vm4 =	vne.s32 v3, $0x0;
	(v2sf) =	vpush v1, $0x0  }
0x4e: {  	v1 =	vmpcnt.ones.xlane vm4;
	(v2sf) =	vpush v2, $0x0  }
0x4f: {  	s20 =	simm.s32 $0x40  }
0x50: {  	(v2sf) =	vpush v1, $0x0;
	v1 =	vld.idx.msk [tilespmem:v0+s20+$0xFFFFFFE0 ss:$0x1], $0xffff  }
0x51: {  	v2 =	vld.idx.msk [tilespmem:v0+s19+$0x0 ss:$0x1], $0xffff  }
0x52: {  	v3 =	vld.idx.msk [tilespmem:v0+s20+$0xFFFFFFD0 ss:$0x1], $0xffff  }
0x53: {  	v4 =	vld.idx.msk [tilespmem:v0+s20+$0xFFFFFFF0 ss:$0x1], $0xffff;
	_ =	sdelay $0x1  }
0x54: {  	s18 =	sadd.s32 s18, s21;
	vm3 =	vne.s32 v1, $0x0  }
0x55: {  	s18 =	sadd.s32 s22, s18;
	vm7 =	vne.s32 v2, $0x0;
	v1 =	vmpcnt.ones.xlane vm3  }
0x56: {  	s22 =	simm.s32 $0x80;
	s18 =	sadd.s32 s18, s23;
	vm6 =	vne.s32 v3, $0x0;
	v2 =	vmpcnt.ones.xlane vm7  }
0x57: {  	s18 =	sadd.s32 s24, s18;
	v6 =	vld.idx.msk [tilespmem:v0+s22+$0xFFFFFFE0 ss:$0x1], $0xffff;
	vm8 =	vne.s32 v4, $0x0;
	v5 =	vmpcnt.ones.xlane vm6;
	(v2sf) =	vpush v1, $0x0  }
0x58: {  	s18 =	sadd.s32 s18, s25;
	v8 =	vld.idx.msk [tilespmem:v0+s22+$0xFFFFFFF0 ss:$0x1], $0xffff;
	(v2sf) =	vpush v2, $0x0;
	v2 =	vmpcnt.ones.xlane vm8  }
0x59: {  	s18 =	sadd.s32 s26, s18;
	v4 =	vld [tilespmem:s19+$0x30];
	(v2sf) =	vpush v5, $0x0  }
0x5a: {  	s18 =	sadd.s32 s18, s28;
	(v2sf) =	vpush v2, $0x0;
	v2 =	vld.idx.msk [tilespmem:v0+s22+$0xFFFFFFD0 ss:$0x1], $0xffff  }
0x5b: {  	s18 =	sadd.s32 s29, s18;
	v3 =	vld.idx.msk [tilespmem:v0+s20+$0x0 ss:$0x1], $0xffff;
	s24 =	spop (v2sf)  }
0x5c: {  	s18 =	simm.s32 @p0 $0x0;
	vm10 =	vne.s32 v6, $0x0;
	vm1 =	vmmov vm1;
	vm4 =	vmmov vm4;
	v1 =	vld [tilespmem:s19+$0x10];
	s25 =	spop (v2sf)  }
0x5d: {  	vm9 =	vmmov vm1;
	vm5 =	vmmov vm4;
	vm4 =	vmmov vm2;
	v5 =	vld [tilespmem:s19+$0x20];
	s23 =	sadd.s32 s18, s25  }
0x5e: {  	vm2 =	vmmov vm8;
	vm4 =	vmmov vm4;
	vm7 =	vmmov vm7;
	v10 =	vld.msk [tilespmem:s23+$0x800], vm9  }
0x5f: {  	vm1 =	vmmov vm3;
	vm3 =	vmmov vm6;
	s26 =	spop (v2sf);
	s21 =	sadd.s32 s23, s24;
	vm8 =	vne.s32 v2, $0x0;
	v2 =	vld.msk [tilespmem:s18+$0x800], vm4  }
0x60: {  	vm6 =	vmmov vm9;
	vm9 =	vne.s32 v3, $0x0;
	v3 =	vmpcnt.ones.xlane vm10;
	v7 =	vld.msk [tilespmem:s21+$0x800], vm5;
	s21 =	sadd.s32 s21, s26  }
0x61: {  	v9 =	vld.msk [tilespmem:s21+$0x800], vm7  }
0x62: {  	vm12 =	vne.s32 v8, $0x0;
	v6 =	vmpcnt.ones.xlane vm9;
	(v2sf) =	vpush v3, $0x0;
	v3 =	vld [tilespmem:s19+$0x0]  }
0x63: {  	v8 =	vmpcnt.ones.xlane vm12;
	vm15 =	vmmov vm1  }
0x64: {  	vm1 =	vmmov vm10;
	vm3 =	vmmov vm3;
	s19 =	simm.s32 $0xC0;
	(v2sf) =	vpush v6, $0x0  }
0x65: {  	v55 =	vld.idx.msk [tilespmem:v0+s19+$0xFFFFFFF0 ss:$0x1], $0xffff;
	v1 =	vxor.u32 v10, v1;
	v5 =	vxor.u32 v7, v5;
	v7 =	vmpcnt.ones.xlane vm8  }
0x66: {  	v6 =	vld [tilespmem:s20+$0x10];
	vm13 =	vlt.s32 v1, $0x0;
	vm11 =	vlt.s32 v5, $0x0;
	v4 =	vxor.u32 v9, v4  }
0x67: {  	v1 =	vld [tilespmem:s20+$0x20];
	v2 =	vxor.u32 v2, v3;
	vm6 =	vmand vm6, vm13;
	(v2sf) =	vpush v7, $0x0  }
0x68: {  	v5 =	vld.idx.msk [tilespmem:v0+s22+$0x0 ss:$0x1], $0xffff;
	s29 =	spop (v2sf);
	vm11 =	vmand vm5, vm11;
	vm14 =	vlt.s32 v4, $0x0;
	vm5 =	vmmov vm2  }
0x69: {  	s30 =	spop (v2sf);
	vm2 =	vmmov vm12;
	v4 =	vld.idx.msk [tilespmem:v0+s19+$0xFFFFFFE0 ss:$0x1], $0xffff;
	vm10 =	vlt.s32 v2, $0x0;
	vm7 =	vmand vm7, vm14  }
0x6a: {  	v7 =	vld [tilespmem:s20+$0x30];
	vm12 =	vne.s32 v55, $0x0;
	(v2sf) =	vpush v8, $0x0;
	s31 =	spop (v2sf);
	s21 =	sadd.s32 s21, s30;
	v2 =	vmpcnt.ones.xlane vm7  }
0x6b: {  	v3 =	vmpcnt.ones.xlane vm11;
	v8 =	vld.idx.msk [tilespmem:v0+s19+$0xFFFFFFD0 ss:$0x1], $0xffff;
	s24 =	sadd.s32 s21, s31;
	vm7 =	vmmov vm9;
	vm9 =	vmand vm4, vm10  }
0x6c: {  	s26 =	spop (v2sf);
	vm4 =	vmmov vm8;
	s23 =	sadd.s32 s24, s29;
	v12 =	vmpcnt.ones.xlane vm9;
	v13 =	vld.msk [tilespmem:s24+$0x800], vm15;
	(v2sf) =	vpush v2, $0x0  }
0x6d: {  	v56 =	vld.msk [tilespmem:s23+$0x800], vm5;
	s23 =	sadd.s32 s23, s26;
	v2 =	vmpcnt.ones.xlane vm6;
	vm6 =	vmmov vm15;
	(v2sf) =	vpush v3, $0x0  }
0x6e: {  	vm9 =	vne.s32 v5, $0x0;
	v11 =	vld.msk [tilespmem:s23+$0x800], vm7;
	vm10 =	vne.s32 v4, $0x0;
	(v2sf) =	vpush v12, $0x0  }
0x6f: {  	vm15 =	vmmov vm1;
	v3 =	vmpcnt.ones.xlane vm10;
	(v2sf) =	vpush v2, $0x0  }
0x70: {  	v5 =	vld.msk [tilespmem:s21+$0x800], vm3;
	vm8 =	vne.s32 v8, $0x0;
	v8 =	vmpcnt.ones.xlane vm9;
	vm1 =	vmmov vm10  }
0x71: {  	v2 =	vmpcnt.ones.xlane vm8;
	(v2sf) =	vpush v3, $0x0;
	v3 =	vld [tilespmem:s20+$0x0];
	v6 =	vxor.u32 v13, v6  }
0x72: {  	v57 =	vld [tilespmem:s22+$0x30];
	v1 =	vxor.u32 v56, v1;
	(v2sf) =	vpush v8, $0x0;
	v8 =	vmpcnt.ones.xlane vm12  }
0x73: {  	v4 =	vld.idx.msk [tilespmem:v0+s19+$0x0 ss:$0x1], $0xffff;
	vm13 =	vlt.s32 v6, $0x0;
	vm11 =	vlt.s32 v1, $0x0;
	v1 =	vxor.u32 v11, v7  }
0x74: {  	s20 =	simm.s32 $0x100;
	v6 =	vld [tilespmem:s22+$0x20];
	(v2sf) =	vpush v2, $0x0;
	vm6 =	vmand vm6, vm13;
	vm11 =	vmand vm5, vm11  }
0x75: {  	s29 =	spop (v2sf);
	vm14 =	vlt.s32 v1, $0x0;
	vm5 =	vmmov vm2;
	vm2 =	vmmov vm12;
	v1 =	vld.idx.msk [tilespmem:v0+s20+$0xFFFFFFE0 ss:$0x1], $0xffff  }
0x76: {  	v58 =	vld.idx.msk [tilespmem:v0+s20+$0xFFFFFFF0 ss:$0x1], $0xffff;
	s30 =	spop (v2sf);
	(v2sf) =	vpush v8, $0x0;
	vm7 =	vmand vm7, vm14;
	v3 =	vxor.u32 v5, v3  }
0x77: {  	s24 =	sadd.s32 s23, s30;
	v8 =	vld.idx.msk [tilespmem:v0+s20+$0xFFFFFFD0 ss:$0x1], $0xffff;
	v5 =	vmpcnt.ones.xlane vm7;
	vm7 =	vmmov vm9;
	vm9 =	vlt.s32 v3, $0x0;
	s31 =	spop (v2sf)  }
0x78: {  	v7 =	vld [tilespmem:s22+$0x10];
	v2 =	vmpcnt.ones.xlane vm11;
	vm9 =	vmand vm3, vm9;
	vm3 =	vmmov vm4;
	s25 =	sadd.s32 s24, s31  }
0x79: {  	vm4 =	vmmov vm8;
	(v2sf) =	vpush v5, $0x0;
	s26 =	spop (v2sf);
	v60 =	vmpcnt.ones.xlane vm9;
	s21 =	sadd.s32 s25, s29;
	v61 =	vld.msk [tilespmem:s25+$0x800], vm15  }
0x7a: {  	v5 =	vmpcnt.ones.xlane vm6;
	(v2sf) =	vpush v2, $0x0;
	vm10 =	vne.s32 v1, $0x0;
	v3 =	vld.msk [tilespmem:s21+$0x800], vm5;
	s23 =	sadd.s32 s21, s26  }
0x7b: {  	vm9 =	vne.s32 v4, $0x0;
	v1 =	vmpcnt.ones.xlane vm10;
	(v2sf) =	vpush v60, $0x0;
	v59 =	vld.msk [tilespmem:s23+$0x800], vm7;
	s21 =	spop (v2sf)  }
0x7c: {  	v2 =	vld.idx.msk [tilespmem:v0+s20+$0x0 ss:$0x1], $0xffff;
	vm8 =	vne.s32 v8, $0x0;
	v62 =	vmpcnt.ones.xlane vm9;
	(v2sf) =	vpush v5, $0x0;
	s25 =	spop (v2sf)  }
0x7d: {  	vm12 =	vne.s32 v58, $0x0;
	v4 =	vld.msk [tilespmem:s24+$0x800], vm3;
	v8 =	vmpcnt.ones.xlane vm8;
	(v2sf) =	vpush v1, $0x0;
	s29 =	spop (v2sf)  }
0x7e: {  	vm6 =	vmmov vm15;
	v5 =	vld [tilespmem:s22+$0x0];
	(v2sf) =	vpush v62, $0x0;
	s30 =	sadd.s32 $0x0, s29;
	s31 =	spop (v2sf);
	v63 =	vxor.u32 v61, v7  }
0x7f: {  	v1 =	vld [tilespmem:s19+$0x10];
	v7 =	vmpcnt.ones.xlane vm12;
	(v2sf) =	vpush v8, $0x0;
	v3 =	vxor.u32 v3, v6;
	s22 =	sadd.s32 s31, s30  }
0x80: {  	s28 =	simm.s32 $0x500;
	s26 =	spop (v2sf);
	vm11 =	vlt.s32 v63, $0x0;
	vm13 =	vlt.s32 v3, $0x0;
	v6 =	vxor.u32 v59, v57;
	v3 =	vld [tilespmem:s19+$0x30];
	s22 =	sadd.s32 s25, s22  }
.LBB2_4:
0x81: {  	s24 =	sshra.s32 s28, $0x2;
	vm14 =	vmand vm5, vm13;
	vm15 =	vlt.s32 v6, $0x0;
	vm13 =	vmmov vm1  }
0x82: {  	v8 =	vld [tilespmem:s19+$0x20];
	s29 =	spop (v2sf);
	s22 =	sadd.s32 s21, s22;
	vm1 =	vmmov vm10;
	vm5 =	vmmov vm2;
	vm2 =	vmmov vm12;
	s21 =	smov.u32 s28  }
0x83: {  	s25 =	sadd.s32 $0x100, s28;
	v6 =	vld.idx.msk [tilespmem:v0+s24+$0xFFFFFFE0 ss:$0x1], $0xffff;
	(v2sf) =	vpush v7, $0x0;
	s21 =	spop (v2sf);
	v7 =	vmpcnt.ones.xlane vm14;
	vm7 =	vmand vm7, vm15;
	s29 =	sadd.s32 s23, s29  }
0x84: {  	p1 =	sne.s32 s28, $0x1F00;
	v9 =	vld.idx.msk [tilespmem:v0+s24+$0xFFFFFFD0 ss:$0x1], $0xffff;
	s21 =	sadd.s32 s29, s21;
	v4 =	vxor.u32 v4, v5;
	v5 =	vmpcnt.ones.xlane vm7;
	vm7 =	vmmov vm9  }
0x85: {  	v10 =	vld.idx.msk [tilespmem:v0+s24+$0xFFFFFFF0 ss:$0x1], $0xffff;
	s23 =	sadd.s32 s21, s26;
	s26 =	spop (v2sf);
	vm9 =	vlt.s32 v4, $0x0  }
0x86: {  	v11 =	vld.msk [tilespmem:s23+$0x800], vm5;
	s23 =	sadd.s32 s23, s26;
	vm9 =	vmand vm3, vm9;
	vm3 =	vmmov vm4;
	vm4 =	vmmov vm8  }
0x87: {  	vm6 =	vmand vm6, vm11;
	v12 =	vld.msk [tilespmem:s23+$0x800], vm7;
	v4 =	vmpcnt.ones.xlane vm9;
	(v2sf) =	vpush v5, $0x0  }
0x88: {  	v5 =	vmpcnt.ones.xlane vm6;
	vm6 =	vmmov vm13;
	v13 =	vld.msk [tilespmem:s21+$0x800], vm13;
	(v2sf) =	vpush v7, $0x0  }
0x89: {  	vm9 =	vne.s32 v2, $0x0;
	vm10 =	vne.s32 v6, $0x0;
	v2 =	vld.idx.msk [tilespmem:v0+s24+$0x0 ss:$0x1], $0xffff;
	(v2sf) =	vpush v4, $0x0;
	s21 =	spop (v2sf)  }
.Ltmp1:
0x8a: {  	vm8 =	vne.s32 v9, $0x0;
	v6 =	vmpcnt.ones.xlane vm10;
	v4 =	vld.msk [tilespmem:s29+$0x800], vm3;
	(v2sf) =	vpush v5, $0x0;
	s28 =	spop (v2sf);
	(pc) =	sbr.rel @p1 .LBB2_4-.Ltmp1, $4  }
0x8b: {  	v7 =	vmpcnt.ones.xlane vm9;
	v9 =	vmpcnt.ones.xlane vm8;
	v8 =	vxor.u32 v11, v8;
	s26 =	spop (v2sf)  }
0x8c: {  	(v2sf) =	vpush v6, $0x0;
	v5 =	vld [tilespmem:s19+$0x0];
	vm13 =	vlt.s32 v8, $0x0;
	v6 =	vxor.u32 v12, v3;
	s22 =	sadd.s32 s22, s26;
	s26 =	spop (v2sf);
	s19 =	smov.u32 s20  }
0x8d: {  	vm12 =	vne.s32 v10, $0x0;
	s20 =	smov.u32 s24;
	(v2sf) =	vpush v7, $0x0;
	v8 =	vxor.u32 v13, v1;
	v1 =	vld [tilespmem:s19+$0x10];
	s22 =	sadd.s32 s26, s22  }
0x8e: {  	v7 =	vmpcnt.ones.xlane vm12;
	(v2sf) =	vpush v9, $0x0;
	v3 =	vld [tilespmem:s19+$0x30];
	s26 =	spop (v2sf);
	vm11 =	vlt.s32 v8, $0x0;
	s22 =	sadd.s32 s28, s22;
	s28 =	smov.u32 s25  }
0x8f: {  	_ = 	snop  }
0x90: {  	(v2sf) =	vpush v7, $0x0;
	_ =	sdelay $0x3  }
0x91: {  	s24 =	spop (v2sf);
	vm13 =	vmand vm5, vm13  }
0x92: {  	vm14 =	vlt.s32 v6, $0x0;
	vm5 =	vmmov vm1;
	vm1 =	vmmov vm2;
	s25 =	spop (v2sf);
	s28 =	sadd.s32 s23, s24  }
0x93: {  	v48 =	vld [tilespmem:s19+$0x20];
	vm2 =	vmmov vm9;
	vm15 =	vmmov vm10;
	vm4 =	vmmov vm4;
	s30 =	sadd.s32 s28, s25;
	s29 =	spop (v2sf)  }
0x94: {  	vm12 =	vmmov vm12;
	vm7 =	vmand vm7, vm14;
	v8 =	vmpcnt.ones.xlane vm13;
	s25 =	sadd.s32 s30, s26;
	v9 =	vld.msk [tilespmem:s30+$0x800], vm5;
	s23 =	spop (v2sf)  }
0x95: {  	vm13 =	vne.s32 v2, $0x0;
	v4 =	vxor.u32 v4, v5;
	v50 =	vmpcnt.ones.xlane vm7;
	v49 =	vld.msk [tilespmem:s25+$0x800], vm1;
	s29 =	sadd.s32 s25, s29;
	s24 =	spop (v2sf)  }
0x96: {  	vm7 =	vmmov vm15;
	v55 =	vmpcnt.ones.xlane vm13;
	vm10 =	vlt.s32 v4, $0x0;
	v51 =	vld.msk [tilespmem:s29+$0x800], vm2;
	s25 =	spop (v2sf)  }
0x97: {  	v11 =	vld [tilespmem:s19+$0x0];
	vm5 =	vmmov vm5;
	vm3 =	vmand vm3, vm10;
	(v2sf) =	vpush v50, $0x0;
	s26 =	spop (v2sf)  }
0x98: {  	v52 =	vld.msk [tilespmem:s28+$0x800], vm4;
	v10 =	vmpcnt.ones.xlane vm3;
	vm3 =	vmand vm6, vm11;
	(v2sf) =	vpush v8, $0x0;
	s30 =	spop (v2sf)  }
0x99: {  	v54 =	vld [tilespmem:s20+$0x30];
	vm6 =	vmmov vm12;
	v53 =	vmpcnt.ones.xlane vm3;
	vm3 =	vmmov vm8;
	s31 =	spop (v2sf)  }
0x9a: {  	v58 =	vld [tilespmem:s20+$0x20];
	vm8 =	vmmov vm13;
	(v2sf) =	vpush v10, $0x0;
	vm3 =	vmmov vm3;
	s29 =	sadd.s32 s29, s31;
	s31 =	spop (v2sf)  }
0x9b: {  	(v2sf) =	vpush v53, $0x0;
	v1 =	vxor.u32 v9, v1;
	v3 =	vxor.u32 v51, v3;
	s28 =	sadd.s32 s29, s31;
	v56 =	vld.msk [tilespmem:s29+$0x800], vm3  }
0x9c: {  	v5 =	vxor.u32 v49, v48;
	(v2sf) =	vpush v55, $0x0;
	vm15 =	vlt.s32 v3, $0x0;
	v2 =	vld.msk [tilespmem:s28+$0x800], vm7;
	s28 =	sadd.s32 s28, s30;
	s29 =	spop (v2sf)  }
0x9d: {  	v60 =	vld [tilespmem:s20+$0x10];
	vm14 =	vlt.s32 v5, $0x0;
	v3 =	vxor.u32 v52, v11;
	vm2 =	vmand vm2, vm15;
	s19 =	sadd.s32 s28, s29  }
0x9e: {  	vm1 =	vmand vm1, vm14;
	v61 =	vmpcnt.ones.xlane vm2;
	vm2 =	vlt.s32 v3, $0x0;
	v59 =	vld.msk [tilespmem:s19+$0x800], vm8  }
0x9f: {  	vm12 =	vlt.s32 v1, $0x0;
	v1 =	vmpcnt.ones.xlane vm1;
	vm1 =	vmand vm4, vm2;
	v57 =	vld.msk [tilespmem:s28+$0x800], vm6  }
0xa0: {  	v3 =	vld [tilespmem:s20+$0x0];
	v62 =	vmpcnt.ones.xlane vm1;
	vm1 =	vmand vm5, vm12;
	(v2sf) =	vpush v61, $0x0  }
0xa1: {  	(v2sf) =	vpush v1, $0x0;
	v1 =	vmpcnt.ones.xlane vm1  }
0xa2: {  	(v2sf) =	vpush v62, $0x0  }
0xa3: {  	vm1 =	vmmov vm7;
	(v2sf) =	vpush v1, $0x0;
	v63 =	vxor.u32 v59, v54  }
0xa4: {  	v1 =	vxor.u32 v2, v60;
	v4 =	vxor.u32 v57, v58;
	vm13 =	vlt.s32 v63, $0x0  }
0xa5: {  	v2 =	vxor.u32 v56, v3;
	vm2 =	vlt.s32 v4, $0x0;
	vm4 =	vmand vm8, vm13  }
0xa6: {  	vm14 =	vlt.s32 v2, $0x0;
	vm2 =	vmand vm6, vm2;
	v3 =	vmpcnt.ones.xlane vm4  }
0xa7: {  	vm15 =	vlt.s32 v1, $0x0;
	v1 =	vmpcnt.ones.xlane vm2;
	vm2 =	vmand vm3, vm14  }
0xa8: {  	vm1 =	vmand vm1, vm15;
	v2 =	vmpcnt.ones.xlane vm2;
	(v2sf) =	vpush v3, $0x0  }
0xa9: {  	v3 =	vmpcnt.ones.xlane vm1;
	(v2sf) =	vpush v1, $0x0  }
0xaa: {  	(v2sf) =	vpush v2, $0x0  }
0xab: {  	(v2sf) =	vpush v3, $0x0;
	_ =	sdelay $0x1  }
0xac: {  	s30 =	sadd.s32 s21, s22  }
0xad: {  	s20 =	sadd.s32 s30, s25;
	s31 =	spop (v2sf)  }
0xae: {  	s20 =	sadd.s32 s26, s20;
	s25 =	spop (v2sf)  }
0xaf: {  	s20 =	sadd.s32 s24, s20;
	s26 =	spop (v2sf)  }
0xb0: {  	s20 =	sadd.s32 s23, s20;
	s28 =	spop (v2sf)  }
0xb1: {  	s20 =	sadd.s32 s20, s26;
	s24 =	spop (v2sf)  }
0xb2: {  	s20 =	sadd.s32 s28, s20;
	s29 =	spop (v2sf)  }
0xb3: {  	s20 =	sadd.s32 s25, s20;
	s30 =	spop (v2sf)  }
0xb4: {  	s20 =	sadd.s32 s31, s20;
	s31 =	spop (v2sf)  }
0xb5: {  	s20 =	sadd.s32 s20, s31;
	s25 =	spop (v2sf)  }
0xb6: {  	s20 =	sadd.s32 s25, s20;
	s26 =	spop (v2sf)  }
0xb7: {  	s20 =	sadd.s32 s30, s20;
	s28 =	spop (v2sf)  }
0xb8: {  	s20 =	sadd.s32 s29, s20;
	s29 =	spop (v2sf)  }
0xb9: {  	s20 =	sadd.s32 s20, s29;
	s30 =	spop (v2sf)  }
0xba: {  	s20 =	sadd.s32 s30, s20  }
0xbb: {  	s20 =	sadd.s32 s28, s20  }
0xbc: {  	s19 =	sadd.s32 s19, s24;
	s20 =	sadd.s32 s26, s20  }
0xbd: {  	s18 =	ssub.s32 s19, s18;
	s31 =	scvt.s32.f32 s20  }
0xbe: {  	s18 =	scvt.s32.f32 s18  }
0xbf: {  	v1 =	vmov s31  }
0xc0: {  	s17 =	sadd.s32 $0x1, s17;
	v2 =	vmov s18;
	v1 =	vnsel vm0, $0x0, v1  }
0xc1: {  	p1 =	sne.s32 s17, s7;
	[tilespmem:$0x2880] =	vst v1;
	v1 =	vnsel vm0, $0x0, v2  }
.Ltmp2:
0xc2: {  	[tilespmem:$0x2890] =	vst v1;
	(pc) =	sbr.rel @p1 .LBB2_1-.Ltmp2, $4  }
0xc3: {  	[hbm4b:s6+s1] =	stream.linear.scatter [tilespmem:s15], [sflag:$0x4], $0x20, $0x38;
	[tilespmem:$0x2900] =	vst v63  }
0xc4: {  	_ =	swait.ge [sflag:s16], $0x20  }
0xc5: {  	[sflag:s16] =	ssyncset.done $0x0  }
0xc6: {  	[sflag:s16] =	ssyncadd.s32 $0xFFFFFFE0  }
0xc7: {  	_ =	sfence.sel $0x180000  }
0xc8: {  	[bflag:$0x0] =	sbarrier.arrive $0xFFFF  }
0xc9: {  	p0 =	sne.s32 s2, $0x0;
	_ =	strace $0x90000047  }
0xca: {  	s0 =	sadd.s32 @!p0 $0x100000, s0;
	[bflag:$0x2] =	sbarrier.arrive $0xFFFF  }
0xcb: {  	[sflag:s0] =	ssyncadd.tile.s32 @!p0 $0x1;
	_ =	shalt  }
.Lfunc_end2:
_tile_overlayer_lowered:
.L_overlay_start_2:
0xcc: {  	(tag) =	ssettag $0x2  }
0xcd: {  	s0 =	rddreg [dreg:$0x0];
	s2 =	stileid.u32  }
0xce: {  	s1 =	rddreg [dreg:$0x1];
	p0 =	sne.s32 s2, $0x0  }
0xcf: {  	s3 =	rddreg [dreg:$0x2];
	[bflag:$0x3] =	sbarrier.arrive $0xFFFF;
	s2 =	simm.s32 @!p0 $0x1C04  }
0xd0: {  	[timem:s3], [sflag:s2] =	dma.local @!p0 [hbm:s0], s1  }
0xd1: {  	s0 =	simm.s32 @!p0 $0x4  }
0xd2: {  	_ =	swait.ge @!p0 [sflag:s0], s1  }
0xd3: {  	s1 =	ssub.s32 @!p0 $0x0, s1;
	[sflag:s0] =	ssyncset.done @!p0 $0x0  }
0xd4: {  	[sflag:s0] =	ssyncadd.s32 @!p0 s1  }
0xd5: {  	[bflag:$0x3] =	sbarrier.arrive $0xFFFF  }
0xd6: {  	_ =	shalt  }

</sc_bundles>
